<compile_context>
chip_gen: v7x
topology: tpu7x:2x2x1
jax: 0.10.2.dev20260603
libtpu: 0.0.44.dev20260713+nightly
codegen_flags: <defaults>
</compile_context>

<pallas_src>
import functools

import jax
import jax.numpy as jnp
from jax import lax
from jax.experimental import pallas as pl
from jax.experimental.pallas import tpu as pltpu
from jax.experimental.pallas import tpu_sc as plsc

_L = 16
_NC = 2
_NS = 16
_NW = _NC * _NS


def _make_sc_histogram(F: int, BM: int):
    per_w = F // _NW
    mesh = plsc.VectorSubcoreMesh(core_axis_name="c", subcore_axis_name="s")

    @functools.partial(
        pl.kernel,
        out_type=jax.ShapeDtypeStruct((_NW, BM), jnp.float32),
        mesh=mesh,
        scratch_types=[
            pltpu.VMEM((per_w,), jnp.int32),
            pltpu.VMEM((per_w,), jnp.int32),
            pltpu.VMEM((BM,), jnp.float32),
            pltpu.SemaphoreType.DMA,
            pltpu.SemaphoreType.DMA,
        ],
        compiler_params=pltpu.CompilerParams(
            needs_layout_passes=False,
            disable_bounds_checks=True,
            disable_semaphore_checks=True,
        ),
    )
    def hist(tails_hbm, heads_hbm, out_hbm, tails_v, heads_v, counts_v,
             sem_t, sem_h):
        wid = lax.axis_index("s") * _NC + lax.axis_index("c")
        zeros = jnp.zeros((_L,), jnp.float32)
        ones = jnp.ones((_L,), jnp.float32)

        base = wid * per_w
        cp_t = pltpu.async_copy(tails_hbm.at[pl.ds(base, per_w)], tails_v, sem_t)
        cp_h = pltpu.async_copy(heads_hbm.at[pl.ds(base, per_w)], heads_v, sem_h)

        @plsc.parallel_loop(0, BM, step=_L, unroll=8)
        def _zero(i):
            counts_v[pl.ds(i, _L)] = zeros

        cp_t.wait()

        @plsc.parallel_loop(0, per_w, step=_L, unroll=16)
        def _acc_t(i):
            plsc.addupdate_scatter(counts_v, [tails_v[pl.ds(i, _L)]], ones)

        cp_h.wait()

        @plsc.parallel_loop(0, per_w, step=_L, unroll=16)
        def _acc_h(i):
            plsc.addupdate_scatter(counts_v, [heads_v[pl.ds(i, _L)]], ones)

        pltpu.sync_copy(counts_v, out_hbm.at[wid])

    return hist


def _tc_finish_body(partial_ref, w_ref, b_ref, out_ref):
    ones_col = jnp.ones((_NW, 1), jnp.float32)
    c_col = lax.dot_general(
        partial_ref[:], ones_col,
        dimension_numbers=(((0,), (0,)), ((), ())),
        preferred_element_type=jnp.float32,
    )
    v_row = jnp.sum(w_ref[:], axis=0, keepdims=True) + b_ref[:]
    out_ref[:] = jnp.maximum(c_col * v_row, 0.0)


def kernel(local_entity, batch_heads, batch_rels, batch_tails, batch_ids,
           fact_ids, weight_list, rel_features, W, b):
    B, M = local_entity.shape
    H = W.shape[1]
    F = batch_tails.shape[0]
    BM = B * M

    tails = batch_tails.astype(jnp.int32)
    heads = batch_heads.astype(jnp.int32)

    partial = _make_sc_histogram(F, BM)(tails, heads)

    blk = 1280
    grid = (BM + blk - 1) // blk
    out2d = pl.pallas_call(
        _tc_finish_body,
        grid=(grid,),
        in_specs=[
            pl.BlockSpec((_NW, blk), lambda i: (0, i)),
            pl.BlockSpec((H, H), lambda i: (0, 0)),
            pl.BlockSpec((1, H), lambda i: (0, 0)),
        ],
        out_specs=pl.BlockSpec((blk, H), lambda i: (i, 0)),
        out_shape=jax.ShapeDtypeStruct((BM, H), jnp.float32),
        compiler_params=pltpu.CompilerParams(
            dimension_semantics=("parallel",),
        ),
    )(partial, W, b.reshape(1, H))

    return out2d.reshape(B, M, H)

# --- scband reference (transcript-rebuilt; emitter-appended) ---
"""Pipeline reference for scband-backward-reason-model-9234179687652 (READ-ONLY COPY).

The authoritative reference and input builder live on the scoring server;
editing this copy changes nothing except your own understanding.
"""

import jax, jax.numpy as jnp
import numpy as np


def setup_inputs(seed: int = 0) -> dict:
    key = jax.random.key(seed)
    ks = jax.random.split(key, 10)
    B, M, H, F, R = 10, 1000, 128, 320000, 500
    local_entity = jax.random.randint(ks[0], (B, M), 0, B * M, dtype=jnp.int64) if jax.config.jax_enable_x64 else jax.random.randint(ks[0], (B, M), 0, B * M).astype(jnp.int32)
    batch_heads = jax.random.randint(ks[1], (F,), 0, B * M)
    batch_rels = jax.random.randint(ks[2], (F,), 0, R)
    batch_tails = jax.random.randint(ks[3], (F,), 0, B * M)
    batch_ids = jax.random.randint(ks[4], (F,), 0, B)
    fact_ids = jnp.arange(F)
    weight_list = jax.random.uniform(ks[5], (F,), dtype=jnp.float32)
    rel_features = jax.random.normal(ks[6], (R, H), dtype=jnp.float32)
    # kb_self_linear parameters (nn.Linear(in_features=128, out_features=128))
    W = jax.random.normal(ks[7], (H, H), dtype=jnp.float32) * 0.05
    b = jax.random.normal(ks[8], (H,), dtype=jnp.float32) * 0.05
    return {
        "local_entity": local_entity,
        "batch_heads": batch_heads,
        "batch_rels": batch_rels,
        "batch_tails": batch_tails,
        "batch_ids": batch_ids,
        "fact_ids": fact_ids,
        "weight_list": weight_list,
        "rel_features": rel_features,
        "W": W,
        "b": b,
    }


def reference(local_entity, batch_heads, batch_rels, batch_tails, batch_ids,
              fact_ids, weight_list, rel_features, W, b):
    # Faithful port of TypeLayer.forward (GNN backward-reasoning entity-init step).
    B, M = local_entity.shape
    H = W.shape[1]
    F = fact_ids.shape[0]
    # fact_rel = torch.ones(num_fact, hidden); fact_val = kb_self_linear(fact_rel)
    fact_rel = jnp.ones((F, H), dtype=jnp.float32)
    fact_val = fact_rel @ W + b
    # sparse.mm(fact2tail_mat, fact_val): scatter-add fact_val rows to tail entities
    tail_agg = jax.ops.segment_sum(fact_val, batch_tails, num_segments=B * M)
    # sparse.mm(fact2head_mat, fact_val): scatter-add fact_val rows to head entities
    head_agg = jax.ops.segment_sum(fact_val, batch_heads, num_segments=B * M)
    f2e_emb = jax.nn.relu(tail_agg + head_agg)
    return f2e_emb.reshape(B, M, H)

if __name__ == "__main__":
    import jax
    _d = setup_inputs()
    print(jax.jit(kernel)(*tuple(_d.values())))

</pallas_src>

<mosaic_0001>
#map = affine_map<(d0, d1) -> (0)>
#map1 = affine_map<(d0, d1) -> (0, 0)>
module attributes {stable_mosaic.version = 14 : i64} {
  func.func @hist(%arg0: i32, %arg1: i32, %arg2: memref<320000xi32, #tpu.memory_space<hbm>>, %arg3: memref<320000xi32, #tpu.memory_space<hbm>>, %arg4: memref<32x10000xf32, #tpu.memory_space<hbm>>, %arg5: memref<10000xi32, #tpu.memory_space<vmem>>, %arg6: memref<10000xi32, #tpu.memory_space<vmem>>, %arg7: memref<10000xf32, #tpu.memory_space<vmem>>, %arg8: memref<!tpu.dma_semaphore, #tpu.memory_space<semaphore_mem>>, %arg9: memref<!tpu.dma_semaphore, #tpu.memory_space<semaphore_mem>>) attributes {dimension_semantics = [#tpu.dimension_semantics<core_parallel>, #tpu.dimension_semantics<subcore_parallel>], iteration_bounds = array<i64: 2, 16>, scalar_prefetch = 0 : i64, scratch_operands = 5 : i64, tpu.core_type = #tpu.core_type<sc_vector_subcore>, window_params = [{transform_indices = #map}, {transform_indices = #map}, {transform_indices = #map1}]} {
    %mul3A = arith.constant 2 : i32
    %mul3A_0 = arith.muli %arg1, %mul3A : i32
    %add3A = arith.addi %mul3A_0, %arg0 : i32
    %broadcast_in_dim3A = arith.constant 0.000000e+00 : f32
    %broadcast_in_dim3A_1 = vector.broadcast %broadcast_in_dim3A : f32 to vector<16xf32>
    %broadcast_in_dim3A_2 = arith.constant 1.000000e+00 : f32
    %broadcast_in_dim3A_3 = vector.broadcast %broadcast_in_dim3A_2 : f32 to vector<16xf32>
    %mul3A_4 = arith.constant 10000 : i32
    %mul3A_5 = arith.muli %add3A, %mul3A_4 : i32
    %dma_start3A = tpu.memref_slice %arg2[%mul3A_5] : memref<320000xi32, #tpu.memory_space<hbm>> -> memref<10000xi32, #tpu.memory_space<hbm>>
    %dma_start3A_6 = tpu.memref_slice %arg2[%mul3A_5] : memref<320000xi32, #tpu.memory_space<hbm>> -> memref<10000xi32, #tpu.memory_space<hbm>>
    tpu.enqueue_dma source(%dma_start3A_6 : memref<10000xi32, #tpu.memory_space<hbm>>) target(%arg5 : memref<10000xi32, #tpu.memory_space<vmem>>) target_semaphore(%arg8 : memref<!tpu.dma_semaphore, #tpu.memory_space<semaphore_mem>>)
    %dma_start3A_7 = tpu.memref_slice %arg3[%mul3A_5] : memref<320000xi32, #tpu.memory_space<hbm>> -> memref<10000xi32, #tpu.memory_space<hbm>>
    %dma_start3A_8 = tpu.memref_slice %arg3[%mul3A_5] : memref<320000xi32, #tpu.memory_space<hbm>> -> memref<10000xi32, #tpu.memory_space<hbm>>
    tpu.enqueue_dma source(%dma_start3A_8 : memref<10000xi32, #tpu.memory_space<hbm>>) target(%arg6 : memref<10000xi32, #tpu.memory_space<vmem>>) target_semaphore(%arg9 : memref<!tpu.dma_semaphore, #tpu.memory_space<semaphore_mem>>)
    %parallel_loop3A = arith.constant 0 : i32
    %parallel_loop3A_9 = arith.constant 10000 : i32
    %parallel_loop3A_10 = arith.constant 16 : i32
    scf.for %parallel_loop3A_20 = %parallel_loop3A to %parallel_loop3A_9 step %parallel_loop3A_10  : i32 {
      %parallel_loop3A_21 = arith.index_cast %parallel_loop3A_20 : i32 to index
      %parallel_loop3A_22 = tpu.vector_load %arg7[%parallel_loop3A_21] {strides = array<i32>} : memref<10000xf32, #tpu.memory_space<vmem>>, vector<16xf32>,
      tpu.vector_store %arg7[%parallel_loop3A_21], %broadcast_in_dim3A_1 {strides = array<i32>} : memref<10000xf32, #tpu.memory_space<vmem>>, vector<16xf32>,
    } {sc.loop_unroll_factor = 8 : i64, sc.parallel_access}
    %dma_wait3A = tpu.memref_slice %arg2[%mul3A_5] : memref<320000xi32, #tpu.memory_space<hbm>> -> memref<10000xi32, #tpu.memory_space<hbm>>
    %dma_wait3A_11 = tpu.memref_slice %arg2[%mul3A_5] : memref<320000xi32, #tpu.memory_space<hbm>> -> memref<10000xi32, #tpu.memory_space<hbm>>
    tpu.wait_dma2 semaphore(%arg8 : memref<!tpu.dma_semaphore, #tpu.memory_space<semaphore_mem>>) src(%dma_wait3A_11 : memref<10000xi32, #tpu.memory_space<hbm>>) dst(%arg5 : memref<10000xi32, #tpu.memory_space<vmem>>)
    %parallel_loop3A_12 = arith.constant 0 : i32
    %parallel_loop3A_13 = arith.constant 10000 : i32
    %parallel_loop3A_14 = arith.constant 16 : i32
    scf.for %parallel_loop3A_20 = %parallel_loop3A_12 to %parallel_loop3A_13 step %parallel_loop3A_14  : i32 {
      %parallel_loop3A_21 = arith.index_cast %parallel_loop3A_20 : i32 to index
      %parallel_loop3A_22 = tpu.vector_load %arg5[%parallel_loop3A_21] {strides = array<i32>} : memref<10000xi32, #tpu.memory_space<vmem>>, vector<16xi32>,
      tpu.vector_store_idx %arg7[%parallel_loop3A_22], %broadcast_in_dim3A_3 {add = true} : memref<10000xf32, #tpu.memory_space<vmem>>[vector<16xi32>], vector<16xf32>,
    } {sc.loop_unroll_factor = 16 : i64, sc.parallel_access}
    %dma_wait3A_15 = tpu.memref_slice %arg3[%mul3A_5] : memref<320000xi32, #tpu.memory_space<hbm>> -> memref<10000xi32, #tpu.memory_space<hbm>>
    %dma_wait3A_16 = tpu.memref_slice %arg3[%mul3A_5] : memref<320000xi32, #tpu.memory_space<hbm>> -> memref<10000xi32, #tpu.memory_space<hbm>>
    tpu.wait_dma2 semaphore(%arg9 : memref<!tpu.dma_semaphore, #tpu.memory_space<semaphore_mem>>) src(%dma_wait3A_16 : memref<10000xi32, #tpu.memory_space<hbm>>) dst(%arg6 : memref<10000xi32, #tpu.memory_space<vmem>>)
    %parallel_loop3A_17 = arith.constant 0 : i32
    %parallel_loop3A_18 = arith.constant 10000 : i32
    %parallel_loop3A_19 = arith.constant 16 : i32
    scf.for %parallel_loop3A_20 = %parallel_loop3A_17 to %parallel_loop3A_18 step %parallel_loop3A_19  : i32 {
      %parallel_loop3A_21 = arith.index_cast %parallel_loop3A_20 : i32 to index
      %parallel_loop3A_22 = tpu.vector_load %arg6[%parallel_loop3A_21] {strides = array<i32>} : memref<10000xi32, #tpu.memory_space<vmem>>, vector<16xi32>,
      tpu.vector_store_idx %arg7[%parallel_loop3A_22], %broadcast_in_dim3A_3 {add = true} : memref<10000xf32, #tpu.memory_space<vmem>>[vector<16xi32>], vector<16xf32>,
    } {sc.loop_unroll_factor = 16 : i64, sc.parallel_access}
    "tpu.region"() ({
      %run_scoped3A = tpu.sem_alloc : memref<!tpu.dma_semaphore, #tpu.memory_space<semaphore_mem>>
      %dma_start3A_20 = arith.constant 0 : i32
      %dma_start3A_21 = tpu.memref_slice %arg4[%add3A, %dma_start3A_20] : memref<32x10000xf32, #tpu.memory_space<hbm>> -> memref<1x10000xf32, #tpu.memory_space<hbm>>
      %dma_start3A_22 = tpu.memref_squeeze %dma_start3A_21 : memref<1x10000xf32, #tpu.memory_space<hbm>> -> memref<10000xf32, #tpu.memory_space<hbm>>
      %dma_start3A_23 = arith.constant 0 : i32
      %dma_start3A_24 = tpu.memref_slice %arg4[%add3A, %dma_start3A_23] : memref<32x10000xf32, #tpu.memory_space<hbm>> -> memref<1x10000xf32, #tpu.memory_space<hbm>>
      %dma_start3A_25 = tpu.memref_squeeze %dma_start3A_24 : memref<1x10000xf32, #tpu.memory_space<hbm>> -> memref<10000xf32, #tpu.memory_space<hbm>>
      tpu.enqueue_dma source(%arg7 : memref<10000xf32, #tpu.memory_space<vmem>>) target(%dma_start3A_25 : memref<10000xf32, #tpu.memory_space<hbm>>) target_semaphore(%run_scoped3A : memref<!tpu.dma_semaphore, #tpu.memory_space<semaphore_mem>>)
      %dma_wait3A_26 = arith.constant 0 : i32
      %dma_wait3A_27 = tpu.memref_slice %arg4[%add3A, %dma_wait3A_26] : memref<32x10000xf32, #tpu.memory_space<hbm>> -> memref<1x10000xf32, #tpu.memory_space<hbm>>
      %dma_wait3A_28 = tpu.memref_squeeze %dma_wait3A_27 : memref<1x10000xf32, #tpu.memory_space<hbm>> -> memref<10000xf32, #tpu.memory_space<hbm>>
      %dma_wait3A_29 = arith.constant 0 : i32
      %dma_wait3A_30 = tpu.memref_slice %arg4[%add3A, %dma_wait3A_29] : memref<32x10000xf32, #tpu.memory_space<hbm>> -> memref<1x10000xf32, #tpu.memory_space<hbm>>
      %dma_wait3A_31 = tpu.memref_squeeze %dma_wait3A_30 : memref<1x10000xf32, #tpu.memory_space<hbm>> -> memref<10000xf32, #tpu.memory_space<hbm>>
      tpu.wait_dma2 semaphore(%run_scoped3A : memref<!tpu.dma_semaphore, #tpu.memory_space<semaphore_mem>>) src(%arg7 : memref<10000xf32, #tpu.memory_space<vmem>>) dst(%dma_wait3A_31 : memref<10000xf32, #tpu.memory_space<hbm>>)
      tpu.yield
    }) : () -> ()
    return
  }
}

module attributes {stable_mosaic.version = 14 : i64} {
  func.func @_tc_finish_body(%arg0: i32, %arg1: memref<32x1280xf32, #tpu.memory_space<vmem>>, %arg2: memref<128x128xf32, #tpu.memory_space<vmem>>, %arg3: memref<1x128xf32, #tpu.memory_space<vmem>>, %arg4: memref<1280x128xf32, #tpu.memory_space<vmem>>) attributes {dimension_semantics = [#tpu.dimension_semantics<parallel>], iteration_bounds = array<i64: 8>, scalar_prefetch = 0 : i64, scratch_operands = 0 : i64, tpu.core_type = #tpu.core_type<tc>, window_params = [{transform_indices = @transform_0, window_bounds = array<i64: 32, 1280>}, {pipeline_mode = #tpu.pipeline_mode<synchronous>, transform_indices = @transform_1, window_bounds = array<i64: 128, 128>}, {pipeline_mode = #tpu.pipeline_mode<synchronous>, transform_indices = @transform_2, window_bounds = array<i64: 1, 128>}, {transform_indices = @transform_3, window_bounds = array<i64: 1280, 128>}]} {
    %broadcast_in_dim3A = arith.constant 1.000000e+00 : f32
    %broadcast_in_dim3A_0 = vector.broadcast %broadcast_in_dim3A : f32 to vector<32x1xf32>
    %get3A = arith.constant 0 : index
    %get3A_1 = arith.constant 0 : index
    %get3A_2 = vector.load %arg1[%get3A, %get3A_1] : memref<32x1280xf32, #tpu.memory_space<vmem>>, vector<32x1280xf32>
    %dot_general3A = arith.constant dense<0.000000e+00> : vector<1280x1xf32>
    %dot_general3A_3 = tpu.matmul %get3A_2, %broadcast_in_dim3A_0, %dot_general3A {dimension_numbers = #tpu.dot_dimension_numbers<[0], [0], [1], [1], [0, 1, 1, 1], [], []>, transpose_lhs_hint = false} : vector<32x1280xf32>, vector<32x1xf32>, vector<1280x1xf32> -> vector<1280x1xf32>
    %get3A_4 = arith.constant 0 : index
    %get3A_5 = arith.constant 0 : index
    %get3A_6 = vector.load %arg2[%get3A_4, %get3A_5] : memref<128x128xf32, #tpu.memory_space<vmem>>, vector<128x128xf32>
    %reduce_sum3A = arith.constant dense<0.000000e+00> : vector<128xf32>
    %reduce_sum3A_7 = vector.multi_reduction <add>, %get3A_6, %reduce_sum3A [0] : vector<128x128xf32> to vector<128xf32>
    %broadcast_in_dim3A_8 = vector.shape_cast %reduce_sum3A_7 : vector<128xf32> to vector<1x128xf32>
    %get3A_9 = arith.constant 0 : index
    %get3A_10 = arith.constant 0 : index
    %get3A_11 = vector.load %arg3[%get3A_9, %get3A_10] : memref<1x128xf32, #tpu.memory_space<vmem>>, vector<1x128xf32>
    %add3A = arith.addf %broadcast_in_dim3A_8, %get3A_11 : vector<1x128xf32>
    %mul3A = vector.broadcast %dot_general3A_3 : vector<1280x1xf32> to vector<1280x128xf32>
    %mul3A_12 = vector.broadcast %add3A : vector<1x128xf32> to vector<1280x128xf32>
    %mul3A_13 = arith.mulf %mul3A, %mul3A_12 : vector<1280x128xf32>
    %max3A = arith.constant 0.000000e+00 : f32
    %max3A_14 = vector.broadcast %max3A : f32 to vector<1280x128xf32>
    %max3A_15 = arith.maximumf %mul3A_13, %max3A_14 : vector<1280x128xf32>
    %swap3A = arith.constant 0 : index
    %swap3A_16 = arith.constant 0 : index
    %swap3A_17 = vector.load %arg4[%swap3A, %swap3A_16] : memref<1280x128xf32, #tpu.memory_space<vmem>>, vector<1280x128xf32>
    tpu.vector_store %arg4[%swap3A, %swap3A_16], %max3A_15 {strides = array<i32>} : memref<1280x128xf32, #tpu.memory_space<vmem>>, vector<1280x128xf32>,
    return
  }
  func.func @transform_0(%arg0: i32) -> (i32, i32) {
    %c0_i32 = arith.constant 0 : i32
    %c0_i32_0 = arith.constant 0 : i32
    return %c0_i32, %arg0 : i32, i32
  }
  func.func @transform_1(%arg0: i32) -> (i32, i32) {
    %c0_i32 = arith.constant 0 : i32
    %c0_i32_0 = arith.constant 0 : i32
    %c0_i32_1 = arith.constant 0 : i32
    return %c0_i32, %c0_i32_0 : i32, i32
  }
  func.func @transform_2(%arg0: i32) -> (i32, i32) {
    %c0_i32 = arith.constant 0 : i32
    %c0_i32_0 = arith.constant 0 : i32
    %c0_i32_1 = arith.constant 0 : i32
    return %c0_i32, %c0_i32_0 : i32, i32
  }
  func.func @transform_3(%arg0: i32) -> (i32, i32) {
    %c0_i32 = arith.constant 0 : i32
    %c0_i32_0 = arith.constant 0 : i32
    return %arg0, %c0_i32 : i32, i32
  }
}

</mosaic_0001>

<sc_bundles>
// kernel: kernel.4.cloned.1.call-start
scs
__scs_entry_jumppad:
0x0: {  	(pc) =	sbr.rel $0x88, $3  }
0x1: {  	(tag) =	ssettag $0x0;
	lr =	simm.s32 $0x1  }
0x2: {  	[smem:$0x3F9D] =	sst lr;
	_ =	strace $0xD0000000  }
0x3: {  	_ = 	snop  }
0x4: {  	_ = 	snop  }
0x5: {  	_ = 	snop  }
0x6: {  	_ = 	snop  }
0x7: {  	_ = 	snop  }
__scs_overlays_trampoline_lowered:
0x8: {  	[smem:$0x3FAC] =	sst s0  }
0x9: {  	[smem:$0x3FAD] =	sst s1  }
0xa: {  	[smem:$0x3FAE] =	sst s2  }
0xb: {  	[smem:$0x3FAF] =	sst s3  }
0xc: {  	[smem:$0x3FB0] =	sst s4  }
0xd: {  	[smem:$0x3FB1] =	sst s5  }
0xe: {  	[smem:$0x3FB2] =	sst s6  }
0xf: {  	[smem:$0x3FB3] =	sst s7  }
0x10: {  	[smem:$0x3FB4] =	sst s8  }
0x11: {  	[smem:$0x3FB5] =	sst s9;
	s0 =	simm.s32 @!p0 $0x0  }
0x12: {  	s1 =	sld [smem:$0x3F9B];
	s0 =	simm.s32 @p0 $0x1  }
0x13: {  	[smem:$0x3FB6] =	sst s0;
	s0 =	simm.s32 @!p1 $0x0  }
0x14: {  	s2 =	sld [smem:$0x3F9A];
	s0 =	simm.s32 @p1 $0x1  }
0x15: {  	[smem:$0x3FB7] =	sst s0;
	s0 =	simm.s32 @!p2 $0x0  }
0x16: {  	s3 =	sld [smem:$0x3FDB];
	s0 =	simm.s32 @p2 $0x1  }
0x17: {  	s4 =	simm.s32 $0x1BF5;
	[smem:$0x3FB9] =	sst s0  }
0x18: {  	s0 =	sld [smem:$0x3F9C];
	_ =	swait.ge [sflag:s4], $0x0  }
0x19: {  	s7 =	sld [smem:$0x3F9D]  }
0x1a: {  	s8 =	sadd.s32 $0xFFFFE003, lr  }
0x1b: {  	s9 =	sadd.s32 $0xFFFFFEF7, lr;
	s5 =	simm.s32 $0xFFFFFFFF;
	p2 =	slt.u32 s8, $0xFFFFF086  }
0x1c: {  	p1 =	slt.u32 s9, $0xF7A;
	s5 =	simm.s32 @!p2 $0x0  }
0x1d: {  	s5 =	simm.s32 @p1 $0x1;
	p0 =	seq.s32 s7, s2  }
0x1e: {  	s7 =	smul.u32 @!p0 $0xF7A, s2;
	p2 =	seq.s32 @!p0 s5, $0x0  }
0x1f: {  	s9 =	smul.u32 $0xF7A, s1;
	s8 =	simm.s32 @!p0 $0x1BF5;
	p2 =	por !p2, p0  }
0x20: {  	[sflag:s8] =	ssyncset.s32 @!p0 $0xFFFFF086;
	s6 =	sadd.s32 @!p0 s3, s7;
	s7 =	simm.s32 @!p0 $0x108  }
0x21: {  	s3 =	sadd.s32 s3, s9;
	s6 =	sadd.s32 @!p0 $0x88, s6;
	s7 =	simm.s32 @p2 $0x1082  }
0x22: {  	[simem:s7], [sflag:s8] =	dma.local @!p0 [hbm:s6], $0xF7A  }
0x23: {  	s9 =	sor.u32 $0xD0000000, s2;
	s6 =	simm.s32 $0x108;
	_ =	swait.ge @!p0 [sflag:s8], $0x0  }
0x24: {  	s3 =	sadd.s32 $0x88, s3;
	s6 =	simm.s32 @!p1 $0x1082;
	[sflag:s4] =	ssyncset.s32 $0xFFFFF086  }
0x25: {  	[simem:s6], [sflag:s4] =	dma.local [hbm:s3], $0xF7A  }
0x26: {  	[smem:$0x3F9D] =	sst s1;
	(tag) =	ssettag s2;
	_ =	strace s9  }
0x27: {  	s1 =	sld [smem:$0x3FAD]  }
0x28: {  	s2 =	sld [smem:$0x3FAE]  }
0x29: {  	s4 =	sld [smem:$0x3FB0]  }
0x2a: {  	p0 =	seq.s32 s5, $0x0;
	s5 =	sld [smem:$0x3FB1]  }
0x2b: {  	s6 =	sld [smem:$0x3FB2]  }
0x2c: {  	s7 =	sld [smem:$0x3FB3]  }
0x2d: {  	s3 =	simm.s32 $0x108;
	s8 =	sld [smem:$0x3FB4]  }
0x2e: {  	s3 =	simm.s32 @!p0 $0x1082;
	s9 =	sld [smem:$0x3FB5]  }
0x2f: {  	lr =	sadd.s32 s0, s3;
	s0 =	sld [smem:$0x3FAC]  }
0x30: {  	s3 =	sld [smem:$0x3FAF]  }
0x31: {  	[smem:$0x3FB8] =	sst s10  }
0x32: {  	s10 =	sld [smem:$0x3FB6];
	_ =	sdelay $0x3  }
0x33: {  	p0 =	seq.s32 s10, $0x1;
	s10 =	sld [smem:$0x3FB8];
	_ =	sdelay $0x3  }
0x34: {  	[smem:$0x3FB8] =	sst s10  }
0x35: {  	s10 =	sld [smem:$0x3FB7];
	_ =	sdelay $0x3  }
0x36: {  	p1 =	seq.s32 s10, $0x1;
	s10 =	sld [smem:$0x3FB8];
	_ =	sdelay $0x3  }
0x37: {  	[smem:$0x3FB8] =	sst s10  }
0x38: {  	s10 =	sld [smem:$0x3FB9]  }
0x39: {  	_ = 	snop;
	(pc) =	sbr.ind lr, $3  }
0x3a: {  	_ = 	snop  }
0x3b: {  	_ = 	snop  }
0x3c: {  	p2 =	seq.s32 s10, $0x1;
	s10 =	sld [smem:$0x3FB8]  }
0x3d: {  	_ =	shalt  }
0x3e: {  	_ =	shalt  }
0x3f: {  	_ =	shalt  }
0x40: {  	_ =	shalt  }
0x41: {  	_ =	shalt  }
0x42: {  	_ =	shalt  }
0x43: {  	_ =	shalt  }
0x44: {  	_ =	shalt  }
0x45: {  	_ =	shalt  }
0x46: {  	_ =	shalt  }
0x47: {  	_ =	shalt  }
0x48: {  	_ =	shalt  }
0x49: {  	_ =	shalt  }
0x4a: {  	_ =	shalt  }
0x4b: {  	_ =	shalt  }
0x4c: {  	_ =	shalt  }
0x4d: {  	_ =	shalt  }
0x4e: {  	_ =	shalt  }
0x4f: {  	_ =	shalt  }
0x50: {  	_ =	shalt  }
0x51: {  	_ =	shalt  }
0x52: {  	_ =	shalt  }
0x53: {  	_ =	shalt  }
0x54: {  	_ =	shalt  }
0x55: {  	_ =	shalt  }
0x56: {  	_ =	shalt  }
0x57: {  	_ =	shalt  }
0x58: {  	_ =	shalt  }
0x59: {  	_ =	shalt  }
0x5a: {  	_ =	shalt  }
0x5b: {  	_ =	shalt  }
0x5c: {  	_ =	shalt  }
0x5d: {  	_ =	shalt  }
0x5e: {  	_ =	shalt  }
0x5f: {  	_ =	shalt  }
0x60: {  	_ =	shalt  }
0x61: {  	_ =	shalt  }
0x62: {  	_ =	shalt  }
0x63: {  	_ =	shalt  }
0x64: {  	_ =	shalt  }
0x65: {  	_ =	shalt  }
0x66: {  	_ =	shalt  }
0x67: {  	_ =	shalt  }
0x68: {  	_ =	shalt  }
0x69: {  	_ =	shalt  }
0x6a: {  	_ =	shalt  }
0x6b: {  	_ =	shalt  }
0x6c: {  	_ =	shalt  }
0x6d: {  	_ =	shalt  }
0x6e: {  	_ =	shalt  }
0x6f: {  	_ =	shalt  }
0x70: {  	_ =	shalt  }
0x71: {  	_ =	shalt  }
0x72: {  	_ =	shalt  }
0x73: {  	_ =	shalt  }
0x74: {  	_ =	shalt  }
0x75: {  	_ =	shalt  }
0x76: {  	_ =	shalt  }
0x77: {  	_ =	shalt  }
0x78: {  	_ =	shalt  }
0x79: {  	_ =	shalt  }
0x7a: {  	_ =	shalt  }
0x7b: {  	_ =	shalt  }
0x7c: {  	_ =	shalt  }
0x7d: {  	_ =	shalt  }
0x7e: {  	_ =	shalt  }
0x7f: {  	_ =	shalt  }
0x80: {  	_ =	shalt  }
0x81: {  	_ =	shalt  }
0x82: {  	_ =	shalt  }
0x83: {  	_ =	shalt  }
0x84: {  	_ =	shalt  }
0x85: {  	_ =	shalt  }
0x86: {  	_ =	shalt  }
0x87: {  	_ =	shalt  }
.Lfunc_end0:
.L_simem_size_0:
called_computation_lowered:
.L_overlay_start_0:
0x88: {  	s2 =	sld [smem:$0x3FD9]  }
0x89: {  	s3 =	sld [smem:$0x3FFE];
	_ =	sdelay $0x1  }
0x8a: {  	s1 =	srdreg.scid  }
0x8b: {  	s0 =	sand.u32 $0x1, s1  }
0x8c: {  	s18 =	sshll.u32 s0, $0xA;
	s2 =	sadd.s32 s3, s2  }
0x8d: {  	s2 =	sadd.s32 s2, s18  }
0x8e: {  	[smem:$0x3FC4] =	sst s2  }
0x8f: {  	_ = 	snop  }
0x90: {  	s2 =	sld [smem:$0x3FC9]  }
0x91: {  	s19 =	sld [smem:$0x3FC8]  }
0x92: {  	s4 =	sld [smem:$0x3FD0];
	(tm) =	ssettm $0x1  }
0x93: {  	s5 =	sld [smem:$0x3FFB];
	_ =	sdelay $0x3  }
0x94: {  	_ =	strace s5  }
0x95: {  	s5 =	sld [smem:$0x3FFC];
	_ =	sdelay $0x3  }
0x96: {  	_ =	strace s5  }
0x97: {  	s5 =	sld [smem:$0x3FFD];
	_ =	sdelay $0x3  }
0x98: {  	_ =	strace s5  }
0x99: {  	_ =	strace $0x8FFFFFFF  }
0x9a: {  	s20 =	sld [smem:$0x3FDB];
	_ =	sdelay $0x1  }
0x9b: {  	s6 =	simm.s32 $_scs_section_size  }
0x9c: {  	s7 =	simm.s32 $_size__tile_overlayer_lowered;
	s8 =	simm.s32 $_tile_overlayer_lowered  }
0x9d: {  	s23 =	simm.s32 $0x1BFF;
	s22 =	sshll.u32 s8, $0x1;
	s5 =	sadd.s32 s6, s20  }
0x9e: {  	s9 =	simm.s32 $0x0;
	s21 =	sshll.u32 s7, $0x1;
	s7 =	sadd.s32 s22, s5  }
0x9f: {  	[timem:s9], [sflag:s23] =	dma.local [hbm:s7], s21  }
0xa0: {  	_ =	swait.ge [sflag:s23], s21  }
0xa1: {  	s6 =	ssub.s32 $0x0, s21;
	[sflag:s23] =	ssyncset.done $0x0  }
0xa2: {  	[sflag:s23] =	ssyncadd.s32 s6;
	_ =	sdelay $0x1  }
0xa3: {  	s24 =	simm.s32 $0x1B8B  }
0xa4: {  	_ =	swait.ge [sflag:s24], $0x1  }
0xa5: {  	[sflag:s24] =	ssyncset.done $0x0  }
0xa6: {  	s25 =	simm.s32 $0x1B8E;
	[sflag:s24] =	ssyncadd.s32 $0xFFFFFFFF  }
0xa7: {  	s26 =	simm.s32 $execute0_lowered;
	[smem:$0x3FD2] =	sst s25  }
0xa8: {  	s6 =	sshll.u32 s26, $0x1;
	_ =	strace $0x80000046;
	[dreg:$0x1] =	wrdreg $0xFFFFFFFF  }
0xa9: {  	s28 =	simm.s32 $_size_execute0_lowered;
	s5 =	sadd.s32 s5, s6;
	[dreg:$0x0] =	wrdreg $0x0  }
0xaa: {  	s6 =	sshll.u32 s28, $0x1;
	[dreg:$0x2] =	wrdreg s5  }
0xab: {  	[dreg:$0x3] =	wrdreg s6  }
0xac: {  	[dreg:$0x4] =	wrdreg $0xC0  }
0xad: {  	_ =	task [dreg:s9], $0x5FFFF  }
0xae: {  	[dreg:$0x1] =	wrdreg $0xFFFFFFFF  }
0xaf: {  	[dreg:$0x0] =	wrdreg $0x60  }
0xb0: {  	[dreg:$0x2] =	wrdreg s19  }
0xb1: {  	[dreg:$0x3] =	wrdreg s2  }
0xb2: {  	[dreg:$0x4] =	wrdreg s4  }
0xb3: {  	[dreg:$0x5] =	wrdreg $0x9  }
0xb4: {  	_ =	task.clear_ibuf [dreg:s9], $0x6FFFF;
	_ =	strace $0x90000046  }
0xb5: {  	s29 =	simm.s32 $0x9;
	_ =	strace $0x80000048  }
0xb6: {  	_ =	swait.ge [sflag:s29], $0x1  }
0xb7: {  	[sflag:s29] =	ssyncadd.s32 $0xFFFFFFFF  }
0xb8: {  	_ =	strace $0x90000048  }
0xb9: {  	_ =	sfence  }
0xba: {  	s30 =	sld [smem:$0x0];
	_ =	sdelay $0x2  }
0xbb: {  	s31 =	sshll.u32 s1, $0xD;
	s1 =	sshrl.u32 s1, $0x2  }
0xbc: {  	s3 =	sand.u32 $0x4000, s31;
	s1 =	sadd.s32 s1, s30  }
0xbd: {  	s0 =	sor.u32 s3, s0;
	s1 =	sshll.u32 s1, $0x11  }
0xbe: {  	s0 =	sor.u32 s1, s0  }
0xbf: {  	s0 =	sadd.s32 $0x8F2B, s0  }
0xc0: {  	[sflag:s0] =	ssyncadd.remote.s32 $0x1  }
0xc1: {  	_ =	sfence.sel $0xFFFF  }
0xc2: {  	[dreg:$0x0] =	wrdreg $0xFFFFFFFF;
	(pc) =	sbr.abs _section_cstart, $3  }
0xc3: {  	[dreg:$0x1] =	wrdreg $0xFFFFFFFF  }
0xc4: {  	_ =	task.clear_ibuf [dreg:s9], $0x2FFFF;
	_ =	strace $0x9FFFFFFF  }
0xc5: {  	(tm) =	ssettm $0x7FFFFFFF  }
tec
execute0_lowered:
.L_overlay_start_1:
0x0: {  	(tag) =	ssettag $0x1  }
0x1: {  	s3 =	rddreg [dreg:$0x0]  }
0x2: {  	s4 =	rddreg [dreg:$0x1]  }
0x3: {  	s1 =	srdreg.scid;
	s0 =	stileid.u32  }
0x4: {  	s5 =	rddreg [dreg:$0x2];
	s11 =	simm.s32 $0x80;
	s12 =	simm.s32 $0x400  }
0x5: {  	s13 =	simm.s32 $0x3;
	s14 =	simm.s32 $0x0;
	s6 =	sand.u32 $0x1, s1  }
0x6: {  	s2 =	sshll.u32 s0, $0x1;
	s1 =	rddreg [dreg:$0x3];
	s8 =	sshrl.u32 s0, $0x2  }
0x7: {  	s7 =	sor.u32 s6, s2;
	s2 =	simm.s32 $0x0;
	s8 =	smul.u32 $0x13C00, s8  }
0x8: {  	s6 =	ssub.s32 $0x2, s6;
	s9 =	sshll.u32 s7, $0x7;
	[smem:$0x7FF] =	sst s2  }
0x9: {  	s10 =	sshrl.u32 s6, $0x1;
	s7 =	smul.u32 $0x4E2, s7;
	s9 =	sand.u32 $0x380, s9  }
0xa: {  	_ =	strace $0x80000047;
	s6 =	ssub.s32 s6, s10;
	s10 =	simm.s32 $0x2  }
0xb: {  	s8 =	sor.u32 s8, s9;
	s3 =	sadd.s32 s3, s7;
	s4 =	sadd.s32 s4, s7  }
0xc: {  	s6 =	smax.u32 s6, $0x1;
	s7 =	simm.s32 $0x2780;
	s8 =	sshrl.u32 s8, $0x3  }
0xd: {  	v0 =	vimm.f32 $0.0e+00;
	v1 =	vimm.f32 $1.000000000e+00;
	s9 =	simm.s32 $0x4F00;
	s5 =	sadd.s32 s5, s8;
	s8 =	simm.s32 $0x1  }
.LBB2_1:
0xe: {  	[tilespmem:s2], [sflag:$0x1] =	stream.linear.gather [hbm4b:s3+s2], $0x2710, $0x38;
	[tilespmem:$0x7680] =	vst v63  }
0xf: {  	s15 =	simm.s32 $0x4F40  }
0x10: {  	[tilespmem:s7], [sflag:$0x2] =	stream.linear.gather [hbm4b:s4+s2], $0x2710, $0x38;
	[tilespmem:$0x7680] =	vst v63  }
0x11: {  	[tilespmem:s15+$0xFFFFFFC0] =	vst v0  }
0x12: {  	[tilespmem:s15+$0x30] =	vst v0  }
0x13: {  	[tilespmem:s15+$0x20] =	vst v0  }
0x14: {  	[tilespmem:s15+$0x10] =	vst v0  }
0x15: {  	[tilespmem:s15+$0x0] =	vst v0  }
0x16: {  	[tilespmem:s15+$0xFFFFFFF0] =	vst v0  }
0x17: {  	s16 =	simm.s32 $0x0;
	[tilespmem:s15+$0xFFFFFFE0] =	vst v0  }
.LBB2_2:
0x18: {  	s16 =	sadd.s32 $0x80, s16;
	[tilespmem:s15+$0xFFFFFFD0] =	vst v0;
	s15 =	sadd.s32 $0x80, s15  }
0x19: {  	[tilespmem:s15+$0xFFFFFFC0] =	vst v0;
	p0 =	slt.u32 s16, $0x2680  }
0x1a: {  	[tilespmem:s15+$0x30] =	vst v0  }
.Ltmp0:
0x1b: {  	[tilespmem:s15+$0x20] =	vst v0;
	(pc) =	sbr.rel @p0 .LBB2_2-.Ltmp0, $4  }
0x1c: {  	[tilespmem:s15+$0x10] =	vst v0  }
0x1d: {  	[tilespmem:s15+$0x0] =	vst v0  }
0x1e: {  	[tilespmem:s15+$0xFFFFFFF0] =	vst v0  }
0x1f: {  	[tilespmem:s15+$0xFFFFFFE0] =	vst v0  }
0x20: {  	[tilespmem:s15+$0xFFFFFFD0] =	vst v0  }
0x21: {  	[tilespmem:$0x7600] =	vst v0  }
0x22: {  	_ =	swait.ge [sflag:s8], $0x2710  }
0x23: {  	[sflag:s8] =	ssyncset.done $0x0  }
0x24: {  	s15 =	simm.s32 $0x80;
	[sflag:s8] =	ssyncadd.s32 $0xFFFFD8F0  }
0x25: {  	v3 =	vld [tilespmem:s15+$0x30]  }
0x26: {  	v4 =	vld [tilespmem:s15+$0x40]  }
0x27: {  	v2 =	vld [tilespmem:s15+$0xFFFFFF80]  }
0x28: {  	v5 =	vld [tilespmem:s15+$0x70]  }
0x29: {  	v6 =	vld [tilespmem:s15+$0xFFFFFFD0]  }
0x2a: {  	v7 =	vld [tilespmem:s15+$0xFFFFFFE0]  }
0x2b: {  	v8 =	vld [tilespmem:s15+$0xFFFFFFF0]  }
0x2c: {  	v9 =	vld [tilespmem:s15+$0x0]  }
0x2d: {  	v10 =	vld [tilespmem:s15+$0x60]  }
0x2e: {  	v11 =	vld [tilespmem:s15+$0x50]  }
0x2f: {  	v62 =	vld [tilespmem:s15+$0xFFFFFFA0]  }
0x30: {  	v12 =	vld [tilespmem:s15+$0x20]  }
0x31: {  	v13 =	vld [tilespmem:s15+$0x10]  }
0x32: {  	v63 =	vld [tilespmem:s15+$0xFFFFFFB0]  }
0x33: {  	[tilespmem:v2+s9+$0x0] =	vst.idx.add.f32.msk $0xffff, v1  }
0x34: {  	[tilespmem:v5+s9+$0x0] =	vst.idx.add.f32.msk $0xffff, v1  }
0x35: {  	v2 =	vld [tilespmem:s15+$0xFFFFFF90]  }
0x36: {  	[tilespmem:v10+s9+$0x0] =	vst.idx.add.f32.msk $0xffff, v1  }
0x37: {  	[tilespmem:v11+s9+$0x0] =	vst.idx.add.f32.msk $0xffff, v1  }
0x38: {  	[tilespmem:v4+s9+$0x0] =	vst.idx.add.f32.msk $0xffff, v1  }
0x39: {  	[tilespmem:v3+s9+$0x0] =	vst.idx.add.f32.msk $0xffff, v1  }
0x3a: {  	v3 =	vld [tilespmem:s15+$0xFFFFFFC0]  }
0x3b: {  	[tilespmem:v12+s9+$0x0] =	vst.idx.add.f32.msk $0xffff, v1  }
0x3c: {  	[tilespmem:v13+s9+$0x0] =	vst.idx.add.f32.msk $0xffff, v1  }
0x3d: {  	[tilespmem:v9+s9+$0x0] =	vst.idx.add.f32.msk $0xffff, v1  }
0x3e: {  	[tilespmem:v8+s9+$0x0] =	vst.idx.add.f32.msk $0xffff, v1  }
0x3f: {  	[tilespmem:v7+s9+$0x0] =	vst.idx.add.f32.msk $0xffff, v1  }
0x40: {  	[tilespmem:v6+s9+$0x0] =	vst.idx.add.f32.msk $0xffff, v1  }
0x41: {  	[tilespmem:v63+s9+$0x0] =	vst.idx.add.f32.msk $0xffff, v1  }
0x42: {  	[tilespmem:v62+s9+$0x0] =	vst.idx.add.f32.msk $0xffff, v1  }
0x43: {  	s16 =	simm.s32 $0x0;
	[tilespmem:v3+s9+$0x0] =	vst.idx.add.f32.msk $0xffff, v1  }
.LBB2_4:
0x44: {  	s16 =	sadd.s32 $0x100, s16;
	[tilespmem:v2+s9+$0x0] =	vst.idx.add.f32.msk $0xffff, v1;
	s15 =	sadd.s32 $0x100, s15  }
0x45: {  	v3 =	vld [tilespmem:s15+$0x30];
	p0 =	slt.u32 s16, $0x2600  }
0x46: {  	v4 =	vld [tilespmem:s15+$0x40]  }
0x47: {  	v2 =	vld [tilespmem:s15+$0xFFFFFF80]  }
0x48: {  	v5 =	vld [tilespmem:s15+$0x70]  }
0x49: {  	v6 =	vld [tilespmem:s15+$0xFFFFFFD0]  }
0x4a: {  	v7 =	vld [tilespmem:s15+$0xFFFFFFE0]  }
0x4b: {  	v8 =	vld [tilespmem:s15+$0xFFFFFFF0]  }
0x4c: {  	v9 =	vld [tilespmem:s15+$0x0]  }
0x4d: {  	v10 =	vld [tilespmem:s15+$0x60]  }
0x4e: {  	v11 =	vld [tilespmem:s15+$0x50]  }
0x4f: {  	[tilespmem:v2+s9+$0x0] =	vst.idx.add.f32.msk $0xffff, v1  }
0x50: {  	[tilespmem:v5+s9+$0x0] =	vst.idx.add.f32.msk $0xffff, v1  }
0x51: {  	v2 =	vld [tilespmem:s15+$0xFFFFFF90]  }
0x52: {  	v5 =	vld [tilespmem:s15+$0xFFFFFFA0]  }
0x53: {  	v12 =	vld [tilespmem:s15+$0x20]  }
0x54: {  	v13 =	vld [tilespmem:s15+$0x10]  }
0x55: {  	[tilespmem:v10+s9+$0x0] =	vst.idx.add.f32.msk $0xffff, v1  }
0x56: {  	[tilespmem:v11+s9+$0x0] =	vst.idx.add.f32.msk $0xffff, v1  }
0x57: {  	[tilespmem:v4+s9+$0x0] =	vst.idx.add.f32.msk $0xffff, v1  }
0x58: {  	[tilespmem:v3+s9+$0x0] =	vst.idx.add.f32.msk $0xffff, v1  }
0x59: {  	v3 =	vld [tilespmem:s15+$0xFFFFFFC0]  }
0x5a: {  	v4 =	vld [tilespmem:s15+$0xFFFFFFB0]  }
0x5b: {  	[tilespmem:v12+s9+$0x0] =	vst.idx.add.f32.msk $0xffff, v1  }
0x5c: {  	[tilespmem:v13+s9+$0x0] =	vst.idx.add.f32.msk $0xffff, v1  }
0x5d: {  	[tilespmem:v9+s9+$0x0] =	vst.idx.add.f32.msk $0xffff, v1  }
0x5e: {  	[tilespmem:v8+s9+$0x0] =	vst.idx.add.f32.msk $0xffff, v1  }
.Ltmp1:
0x5f: {  	[tilespmem:v7+s9+$0x0] =	vst.idx.add.f32.msk $0xffff, v1;
	(pc) =	sbr.rel @p0 .LBB2_4-.Ltmp1, $4  }
0x60: {  	[tilespmem:v6+s9+$0x0] =	vst.idx.add.f32.msk $0xffff, v1  }
0x61: {  	[tilespmem:v3+s9+$0x0] =	vst.idx.add.f32.msk $0xffff, v1  }
0x62: {  	[tilespmem:v4+s9+$0x0] =	vst.idx.add.f32.msk $0xffff, v1  }
0x63: {  	[tilespmem:v5+s9+$0x0] =	vst.idx.add.f32.msk $0xffff, v1  }
0x64: {  	_ =	sdelay $0x3  }
0x65: {  	[tilespmem:v2+s9+$0x0] =	vst.idx.add.f32.msk $0xffff, v1  }
0x66: {  	v2 =	vld [tilespmem:$0x2700];
	_ =	sdelay $0x7  }
0x67: {  	[tilespmem:v2+s9+$0x0] =	vst.idx.add.f32.msk $0xffff, v1  }
0x68: {  	_ =	swait.ge [sflag:s10], $0x2710  }
0x69: {  	[sflag:s10] =	ssyncset.done $0x0  }
0x6a: {  	s15 =	simm.s32 $0x2800;
	[sflag:s10] =	ssyncadd.s32 $0xFFFFD8F0  }
0x6b: {  	v3 =	vld [tilespmem:s15+$0x30]  }
0x6c: {  	v4 =	vld [tilespmem:s15+$0x40]  }
0x6d: {  	v2 =	vld [tilespmem:s15+$0xFFFFFF80]  }
0x6e: {  	v5 =	vld [tilespmem:s15+$0x70]  }
0x6f: {  	v6 =	vld [tilespmem:s15+$0xFFFFFFD0]  }
0x70: {  	v7 =	vld [tilespmem:s15+$0xFFFFFFE0]  }
0x71: {  	v8 =	vld [tilespmem:s15+$0xFFFFFFF0]  }
0x72: {  	v9 =	vld [tilespmem:s15+$0x0]  }
0x73: {  	v10 =	vld [tilespmem:s15+$0x60]  }
0x74: {  	v11 =	vld [tilespmem:s15+$0x50]  }
0x75: {  	v62 =	vld [tilespmem:s15+$0xFFFFFFA0]  }
0x76: {  	v12 =	vld [tilespmem:s15+$0x20]  }
0x77: {  	v13 =	vld [tilespmem:s15+$0x10]  }
0x78: {  	v63 =	vld [tilespmem:s15+$0xFFFFFFB0]  }
0x79: {  	[tilespmem:v2+s9+$0x0] =	vst.idx.add.f32.msk $0xffff, v1  }
0x7a: {  	[tilespmem:v5+s9+$0x0] =	vst.idx.add.f32.msk $0xffff, v1  }
0x7b: {  	v2 =	vld [tilespmem:s15+$0xFFFFFF90]  }
0x7c: {  	[tilespmem:v10+s9+$0x0] =	vst.idx.add.f32.msk $0xffff, v1  }
0x7d: {  	[tilespmem:v11+s9+$0x0] =	vst.idx.add.f32.msk $0xffff, v1  }
0x7e: {  	[tilespmem:v4+s9+$0x0] =	vst.idx.add.f32.msk $0xffff, v1  }
0x7f: {  	[tilespmem:v3+s9+$0x0] =	vst.idx.add.f32.msk $0xffff, v1  }
0x80: {  	v3 =	vld [tilespmem:s15+$0xFFFFFFC0]  }
0x81: {  	[tilespmem:v12+s9+$0x0] =	vst.idx.add.f32.msk $0xffff, v1  }
0x82: {  	[tilespmem:v13+s9+$0x0] =	vst.idx.add.f32.msk $0xffff, v1  }
0x83: {  	[tilespmem:v9+s9+$0x0] =	vst.idx.add.f32.msk $0xffff, v1  }
0x84: {  	[tilespmem:v8+s9+$0x0] =	vst.idx.add.f32.msk $0xffff, v1  }
0x85: {  	[tilespmem:v7+s9+$0x0] =	vst.idx.add.f32.msk $0xffff, v1  }
0x86: {  	[tilespmem:v6+s9+$0x0] =	vst.idx.add.f32.msk $0xffff, v1  }
0x87: {  	[tilespmem:v63+s9+$0x0] =	vst.idx.add.f32.msk $0xffff, v1  }
0x88: {  	[tilespmem:v62+s9+$0x0] =	vst.idx.add.f32.msk $0xffff, v1  }
0x89: {  	s16 =	simm.s32 $0x0;
	[tilespmem:v3+s9+$0x0] =	vst.idx.add.f32.msk $0xffff, v1  }
.LBB2_6:
0x8a: {  	s16 =	sadd.s32 $0x100, s16;
	[tilespmem:v2+s9+$0x0] =	vst.idx.add.f32.msk $0xffff, v1;
	s15 =	sadd.s32 $0x100, s15  }
0x8b: {  	v3 =	vld [tilespmem:s15+$0x30];
	p0 =	slt.u32 s16, $0x2600  }
0x8c: {  	v4 =	vld [tilespmem:s15+$0x40]  }
0x8d: {  	v2 =	vld [tilespmem:s15+$0xFFFFFF80]  }
0x8e: {  	v5 =	vld [tilespmem:s15+$0x70]  }
0x8f: {  	v6 =	vld [tilespmem:s15+$0xFFFFFFD0]  }
0x90: {  	v7 =	vld [tilespmem:s15+$0xFFFFFFE0]  }
0x91: {  	v8 =	vld [tilespmem:s15+$0xFFFFFFF0]  }
0x92: {  	v9 =	vld [tilespmem:s15+$0x0]  }
0x93: {  	v10 =	vld [tilespmem:s15+$0x60]  }
0x94: {  	v11 =	vld [tilespmem:s15+$0x50]  }
0x95: {  	[tilespmem:v2+s9+$0x0] =	vst.idx.add.f32.msk $0xffff, v1  }
0x96: {  	[tilespmem:v5+s9+$0x0] =	vst.idx.add.f32.msk $0xffff, v1  }
0x97: {  	v2 =	vld [tilespmem:s15+$0xFFFFFF90]  }
0x98: {  	v5 =	vld [tilespmem:s15+$0xFFFFFFA0]  }
0x99: {  	v12 =	vld [tilespmem:s15+$0x20]  }
0x9a: {  	v13 =	vld [tilespmem:s15+$0x10]  }
0x9b: {  	[tilespmem:v10+s9+$0x0] =	vst.idx.add.f32.msk $0xffff, v1  }
0x9c: {  	[tilespmem:v11+s9+$0x0] =	vst.idx.add.f32.msk $0xffff, v1  }
0x9d: {  	[tilespmem:v4+s9+$0x0] =	vst.idx.add.f32.msk $0xffff, v1  }
0x9e: {  	[tilespmem:v3+s9+$0x0] =	vst.idx.add.f32.msk $0xffff, v1  }
0x9f: {  	v3 =	vld [tilespmem:s15+$0xFFFFFFC0]  }
0xa0: {  	v4 =	vld [tilespmem:s15+$0xFFFFFFB0]  }
0xa1: {  	[tilespmem:v12+s9+$0x0] =	vst.idx.add.f32.msk $0xffff, v1  }
0xa2: {  	[tilespmem:v13+s9+$0x0] =	vst.idx.add.f32.msk $0xffff, v1  }
0xa3: {  	[tilespmem:v9+s9+$0x0] =	vst.idx.add.f32.msk $0xffff, v1  }
0xa4: {  	[tilespmem:v8+s9+$0x0] =	vst.idx.add.f32.msk $0xffff, v1  }
.Ltmp2:
0xa5: {  	[tilespmem:v7+s9+$0x0] =	vst.idx.add.f32.msk $0xffff, v1;
	(pc) =	sbr.rel @p0 .LBB2_6-.Ltmp2, $4  }
0xa6: {  	[tilespmem:v6+s9+$0x0] =	vst.idx.add.f32.msk $0xffff, v1  }
0xa7: {  	[tilespmem:v3+s9+$0x0] =	vst.idx.add.f32.msk $0xffff, v1  }
0xa8: {  	[tilespmem:v4+s9+$0x0] =	vst.idx.add.f32.msk $0xffff, v1  }
0xa9: {  	[tilespmem:v5+s9+$0x0] =	vst.idx.add.f32.msk $0xffff, v1  }
0xaa: {  	_ =	sdelay $0x3  }
0xab: {  	[tilespmem:v2+s9+$0x0] =	vst.idx.add.f32.msk $0xffff, v1  }
0xac: {  	v2 =	vld [tilespmem:$0x4E80];
	_ =	sdelay $0x5  }
0xad: {  	s14 =	sadd.s32 $0x1, s14  }
0xae: {  	p0 =	sne.s32 s14, s6  }
.Ltmp3:
0xaf: {  	[tilespmem:v2+s9+$0x0] =	vst.idx.add.f32.msk $0xffff, v1;
	(pc) =	sbr.rel @p0 .LBB2_1-.Ltmp3, $4  }
0xb0: {  	[hbm4b:s5+s11] =	stream.strided.scatter [tilespmem:s9], [sflag:$0x3], $0x2780, s12, s11, $0x38;
	[tilespmem:$0x7680] =	vst v63  }
0xb1: {  	_ =	swait.ge [sflag:s13], $0x2780  }
0xb2: {  	[sflag:s13] =	ssyncset.done $0x0  }
0xb3: {  	[sflag:s13] =	ssyncadd.s32 $0xFFFFD880  }
0xb4: {  	_ =	sfence.sel $0x180000  }
0xb5: {  	[bflag:$0x0] =	sbarrier.arrive $0xFFFF  }
0xb6: {  	p0 =	sne.s32 s0, $0x0;
	_ =	strace $0x90000047  }
0xb7: {  	s0 =	sadd.s32 @!p0 $0x100000, s1;
	[bflag:$0x2] =	sbarrier.arrive $0xFFFF  }
0xb8: {  	[sflag:s0] =	ssyncadd.tile.s32 @!p0 $0x1;
	_ =	shalt  }
.Lfunc_end2:
_tile_overlayer_lowered:
.L_overlay_start_2:
0xb9: {  	(tag) =	ssettag $0x2  }
0xba: {  	s0 =	rddreg [dreg:$0x0];
	s2 =	stileid.u32  }
0xbb: {  	s1 =	rddreg [dreg:$0x1];
	p0 =	sne.s32 s2, $0x0  }
0xbc: {  	s3 =	rddreg [dreg:$0x2];
	[bflag:$0x3] =	sbarrier.arrive $0xFFFF;
	s2 =	simm.s32 @!p0 $0x1C03  }
0xbd: {  	[timem:s3], [sflag:s2] =	dma.local @!p0 [hbm:s0], s1  }
0xbe: {  	s0 =	simm.s32 @!p0 $0x3  }
0xbf: {  	_ =	swait.ge @!p0 [sflag:s0], s1  }
0xc0: {  	s1 =	ssub.s32 @!p0 $0x0, s1;
	[sflag:s0] =	ssyncset.done @!p0 $0x0  }
0xc1: {  	[sflag:s0] =	ssyncadd.s32 @!p0 s1  }
0xc2: {  	[bflag:$0x3] =	sbarrier.arrive $0xFFFF  }
0xc3: {  	_ =	shalt  }

</sc_bundles>
